<compile_context>
chip_gen: v7x
topology: tpu7x:2x2x1
jax: 0.10.2.dev20260603
libtpu: 0.0.44.dev20260713+nightly
codegen_flags: <defaults>
</compile_context>

<pallas_src>
import functools

import jax
import jax.numpy as jnp
from jax import lax
from jax.experimental import pallas as pl
from jax.experimental.pallas import tpu as pltpu
from jax.experimental.pallas import tpu_sc as plsc

LATENT = 64
KCODE = 1024
N_TOK = 4 * 28 * 28
ENC_LAST = 384


def _conv(x, w, stride, pad):
    return jax.lax.conv_general_dilated(
        x, w, window_strides=(stride, stride),
        padding=[(pad, pad), (pad, pad)],
        dimension_numbers=('NCHW', 'OIHW', 'NCHW'))


def _convT(x, w):
    return jax.lax.conv_transpose(
        x, w, strides=(2, 2), padding='SAME',
        dimension_numbers=('NCHW', 'HWIO', 'NCHW'))



HW = 784


def _quant_body(z_ref, cb_ref, idx_ref):
    z = z_ref[0]
    cb = cb_ref[...]
    zc = lax.dot_general(cb, z, (((1,), (0,)), ((), ())),
                         preferred_element_type=jnp.float32)
    zn = jnp.sum(z * z, axis=0, keepdims=True)
    cn = jnp.sum(cb * cb, axis=1, keepdims=True)
    d = jnp.sqrt(jnp.maximum(zn - 2.0 * zc + cn, 0.0))
    dmin = jnp.min(d, axis=0, keepdims=True)
    jidx = lax.broadcasted_iota(jnp.int32, d.shape, 0)
    idx_ref[0] = jnp.min(jnp.where(d <= dmin, jidx, KCODE),
                         axis=0, keepdims=True)


def _quantize_tc(z_cm, codebook):
    return pl.pallas_call(
        _quant_body,
        grid=(4,),
        in_specs=[
            pl.BlockSpec((1, LATENT, HW), lambda n: (n, 0, 0)),
            pl.BlockSpec((KCODE, LATENT), lambda n: (0, 0)),
        ],
        out_specs=pl.BlockSpec((1, 1, HW), lambda n: (n, 0, 0)),
        out_shape=jax.ShapeDtypeStruct((4, 1, HW), jnp.int32),
    )(z_cm, codebook)



_NC = 2
_NS = 16
_NW_USED = 28
_ROWS = 112


def _sc_gather_body(cb_hbm, idx_hbm, out_hbm, idx_v, rows_v, sem):
    wid = lax.axis_index("s") * _NC + lax.axis_index("c")

    @pl.when(wid < _NW_USED)
    def _():
        base = wid * _ROWS
        pltpu.sync_copy(idx_hbm.at[pl.ds(base, _ROWS)], idx_v)
        pltpu.async_copy(cb_hbm.at[idx_v], rows_v, sem).wait()
        pltpu.sync_copy(rows_v, out_hbm.at[pl.ds(base, _ROWS)])


@functools.cache
def _sc_gather_kernel():
    return pl.kernel(
        _sc_gather_body,
        mesh=plsc.VectorSubcoreMesh(core_axis_name="c", subcore_axis_name="s"),
        compiler_params=pltpu.CompilerParams(use_tc_tiling_on_sc=False),
        out_type=jax.ShapeDtypeStruct((N_TOK, LATENT), jnp.float32),
        scratch_types=[
            pltpu.VMEM((_ROWS,), jnp.int32),
            pltpu.VMEM((_ROWS, LATENT), jnp.float32),
            pltpu.SemaphoreType.DMA,
        ],
    )



def kernel(x, enc_w0, enc_b0, enc_w1, enc_b1, enc_w2, enc_b2,
           proj_w, proj_b, dec_w0, dec_b0, dec_w1, dec_b1, dec_w2, dec_b2,
           out_w, out_b, codebook):
    h = x
    for w, b in ((enc_w0, enc_b0), (enc_w1, enc_b1), (enc_w2, enc_b2)):
        h = jax.nn.relu(_conv(h, w, 2, 1) + b[None, :, None, None])
    b_ = h.shape[0]

    z = _conv(h, proj_w, 1, 0) + proj_b[None, :, None, None]
    z_cm = z.reshape(b_, LATENT, HW)

    idx_cm = _quantize_tc(z_cm, codebook)
    idx = idx_cm.reshape(N_TOK)

    z_q_flat = _sc_gather_kernel()(codebook, idx)

    hh = ww = 28
    z_q = jnp.transpose(z_q_flat.reshape(b_, hh, ww, LATENT), (0, 3, 1, 2))

    z_q_st = z + lax.stop_gradient(z_q - z)

    g = z_q_st
    for w, b in ((dec_w0, dec_b0), (dec_w1, dec_b1), (dec_w2, dec_b2)):
        g = jax.nn.relu(_convT(g, w) + b[None, :, None, None])
    out = _conv(g, out_w, 1, 1) + out_b[None, :, None, None]
    return (out, z, z_q)

# --- scband reference (transcript-rebuilt; emitter-appended) ---
"""Pipeline reference for scband-vqvae-61838939128204 (READ-ONLY COPY).

The authoritative reference and input builder live on the scoring server;
editing this copy changes nothing except your own understanding.
"""

import jax, jax.numpy as jnp
import numpy as np

B = 4
IMG = 224
CH = 3
LATENT = 64
KCODE = 1024
ENC = [96, 192, 384]
DEC = [384, 192, 96]


def _conv(x, w, stride, pad):
    return jax.lax.conv_general_dilated(
        x, w, window_strides=(stride, stride),
        padding=[(pad, pad), (pad, pad)],
        dimension_numbers=('NCHW', 'OIHW', 'NCHW'))


def _convT(x, w):
    # kernel 4, stride 2, 'SAME' -> doubles spatial dims (matches torch ConvTranspose2d k=4,s=2,p=1)
    return jax.lax.conv_transpose(
        x, w, strides=(2, 2), padding='SAME',
        dimension_numbers=('NCHW', 'HWIO', 'NCHW'))


def setup_inputs(seed: int = 0) -> dict:
    key = jax.random.key(seed)
    ks = jax.random.split(key, 24)
    inp = {}
    inp['x'] = jax.random.normal(ks[0], (B, CH, IMG, IMG), dtype=jnp.float32)
    chans = [CH] + ENC
    for i in range(len(ENC)):
        inp[f'enc_w{i}'] = jax.random.normal(ks[1 + i], (chans[i + 1], chans[i], 4, 4), dtype=jnp.float32) * 0.02
        inp[f'enc_b{i}'] = jnp.zeros((chans[i + 1],), dtype=jnp.float32)
    inp['proj_w'] = jax.random.normal(ks[5], (LATENT, ENC[-1], 1, 1), dtype=jnp.float32) * 0.02
    inp['proj_b'] = jnp.zeros((LATENT,), dtype=jnp.float32)
    dchans = [LATENT] + DEC
    for i in range(len(DEC)):
        inp[f'dec_w{i}'] = jax.random.normal(ks[6 + i], (4, 4, dchans[i], dchans[i + 1]), dtype=jnp.float32) * 0.02
        inp[f'dec_b{i}'] = jnp.zeros((dchans[i + 1],), dtype=jnp.float32)
    inp['out_w'] = jax.random.normal(ks[10], (CH, DEC[-1], 3, 3), dtype=jnp.float32) * 0.02
    inp['out_b'] = jnp.zeros((CH,), dtype=jnp.float32)
    inp['codebook'] = jax.random.uniform(ks[11], (KCODE, LATENT), dtype=jnp.float32,
                                         minval=-1.0 / KCODE, maxval=1.0 / KCODE)
    return inp


def reference(x, enc_w0, enc_b0, enc_w1, enc_b1, enc_w2, enc_b2,
              proj_w, proj_b, dec_w0, dec_b0, dec_w1, dec_b1, dec_w2, dec_b2,
              out_w, out_b, codebook):
    # encode
    h = x
    for w, b in ((enc_w0, enc_b0), (enc_w1, enc_b1), (enc_w2, enc_b2)):
        h = jax.nn.relu(_conv(h, w, 2, 1) + b[None, :, None, None])
    z = _conv(h, proj_w, 1, 0) + proj_b[None, :, None, None]
    # quantize (nearest codebook entry via euclidean cdist)
    b_, c, hh, ww = z.shape
    z_flat = jnp.transpose(z, (0, 2, 3, 1)).reshape(-1, c)
    d2 = (jnp.sum(z_flat ** 2, axis=1, keepdims=True)
          - 2.0 * z_flat @ codebook.T
          + jnp.sum(codebook ** 2, axis=1)[None, :])
    d = jnp.sqrt(jnp.maximum(d2, 0.0))
    idx = jnp.argmin(d, axis=1)
    z_q = jnp.take(codebook, idx, axis=0).reshape(b_, hh, ww, c)
    z_q = jnp.transpose(z_q, (0, 3, 1, 2))
    # straight-through estimator
    z_q_st = z + jax.lax.stop_gradient(z_q - z)
    # decode
    g = z_q_st
    for w, b in ((dec_w0, dec_b0), (dec_w1, dec_b1), (dec_w2, dec_b2)):
        g = jax.nn.relu(_convT(g, w) + b[None, :, None, None])
    out = _conv(g, out_w, 1, 1) + out_b[None, :, None, None]
    # spatial dims already match img_size (224), so no interpolation branch
    return (out, z, z_q)

if __name__ == "__main__":
    import jax
    _d = setup_inputs()
    print(jax.jit(kernel)(*tuple(_d.values())))

</pallas_src>

<mosaic_0001>
#map = affine_map<(d0, d1) -> (0, 0)>
#map1 = affine_map<(d0, d1) -> (0)>
module attributes {stable_mosaic.version = 14 : i64} {
  func.func @_sc_gather_body(%arg0: i32, %arg1: i32, %arg2: memref<1024x64xf32, #tpu.memory_space<hbm>>, %arg3: memref<3136xi32, #tpu.memory_space<hbm>>, %arg4: memref<3136x64xf32, #tpu.memory_space<hbm>>, %arg5: memref<112xi32, #tpu.memory_space<vmem>>, %arg6: memref<112x64xf32, #tpu.memory_space<vmem>>, %arg7: memref<!tpu.dma_semaphore, #tpu.memory_space<semaphore_mem>>) attributes {dimension_semantics = [#tpu.dimension_semantics<core_parallel>, #tpu.dimension_semantics<subcore_parallel>], iteration_bounds = array<i64: 2, 16>, scalar_prefetch = 0 : i64, scratch_operands = 3 : i64, tpu.core_type = #tpu.core_type<sc_vector_subcore>, window_params = [{transform_indices = #map}, {transform_indices = #map1}, {transform_indices = #map}]} {
    %mul3A = arith.constant 2 : i32
    %mul3A_0 = arith.muli %arg1, %mul3A : i32
    %add3A = arith.addi %mul3A_0, %arg0 : i32
    %lt3A = arith.constant 28 : i32
    %lt3A_1 = arith.cmpi slt, %add3A, %lt3A : i32
    %convert_element_type3A = arith.extui %lt3A_1 : i1 to i32
    %cond3A = arith.constant 0 : i32
    %cond3A_2 = arith.cmpi ne, %convert_element_type3A, %cond3A : i32
    scf.if %cond3A_2 {
      %mul3A_3 = arith.constant 112 : i32
      %mul3A_4 = arith.muli %add3A, %mul3A_3 : i32
      "tpu.region"() ({
        %run_scoped3A = tpu.sem_alloc : memref<!tpu.dma_semaphore, #tpu.memory_space<semaphore_mem>>
        %dma_start3A_9 = tpu.memref_slice %arg3[%mul3A_4] : memref<3136xi32, #tpu.memory_space<hbm>> -> memref<112xi32, #tpu.memory_space<hbm>>
        %dma_start3A_10 = tpu.memref_slice %arg3[%mul3A_4] : memref<3136xi32, #tpu.memory_space<hbm>> -> memref<112xi32, #tpu.memory_space<hbm>>
        tpu.enqueue_dma source(%dma_start3A_10 : memref<112xi32, #tpu.memory_space<hbm>>) target(%arg5 : memref<112xi32, #tpu.memory_space<vmem>>) target_semaphore(%run_scoped3A : memref<!tpu.dma_semaphore, #tpu.memory_space<semaphore_mem>>)
        %dma_wait3A_11 = tpu.memref_slice %arg3[%mul3A_4] : memref<3136xi32, #tpu.memory_space<hbm>> -> memref<112xi32, #tpu.memory_space<hbm>>
        %dma_wait3A_12 = tpu.memref_slice %arg3[%mul3A_4] : memref<3136xi32, #tpu.memory_space<hbm>> -> memref<112xi32, #tpu.memory_space<hbm>>
        tpu.wait_dma2 semaphore(%run_scoped3A : memref<!tpu.dma_semaphore, #tpu.memory_space<semaphore_mem>>) src(%dma_wait3A_12 : memref<112xi32, #tpu.memory_space<hbm>>) dst(%arg5 : memref<112xi32, #tpu.memory_space<vmem>>)
        tpu.yield
      }) : () -> ()
      %dma_start3A = arith.constant 0 : i32
      %dma_start3A_5 = arith.constant 0 : i32
      %dma_start3A_6 = tpu.memref_slice %arg2[%dma_start3A, %dma_start3A_5] : memref<1024x64xf32, #tpu.memory_space<hbm>> -> memref<1024x64xf32, #tpu.memory_space<hbm>>
      tpu.enqueue_indirect_dma source(%dma_start3A_6 : memref<1024x64xf32, #tpu.memory_space<hbm>>) target(%arg6 : memref<112x64xf32, #tpu.memory_space<vmem>>) offsets(%arg5 : memref<112xi32, #tpu.memory_space<vmem>>) semaphore(%arg7 : memref<!tpu.dma_semaphore, #tpu.memory_space<semaphore_mem>>)
      %dma_wait3A = arith.constant 0 : i32
      %dma_wait3A_7 = arith.constant 0 : i32
      %dma_wait3A_8 = tpu.memref_slice %arg2[%dma_wait3A, %dma_wait3A_7] : memref<1024x64xf32, #tpu.memory_space<hbm>> -> memref<1024x64xf32, #tpu.memory_space<hbm>>
      tpu.wait_indirect_dma semaphore(%arg7 : memref<!tpu.dma_semaphore, #tpu.memory_space<semaphore_mem>>) src(%dma_wait3A_8 : memref<1024x64xf32, #tpu.memory_space<hbm>>) dst(%arg6 : memref<112x64xf32, #tpu.memory_space<vmem>>)
      "tpu.region"() ({
        %run_scoped3A = tpu.sem_alloc : memref<!tpu.dma_semaphore, #tpu.memory_space<semaphore_mem>>
        %dma_start3A_9 = arith.constant 0 : i32
        %dma_start3A_10 = tpu.memref_slice %arg4[%mul3A_4, %dma_start3A_9] : memref<3136x64xf32, #tpu.memory_space<hbm>> -> memref<112x64xf32, #tpu.memory_space<hbm>>
        %dma_start3A_11 = arith.constant 0 : i32
        %dma_start3A_12 = tpu.memref_slice %arg4[%mul3A_4, %dma_start3A_11] : memref<3136x64xf32, #tpu.memory_space<hbm>> -> memref<112x64xf32, #tpu.memory_space<hbm>>
        tpu.enqueue_dma source(%arg6 : memref<112x64xf32, #tpu.memory_space<vmem>>) target(%dma_start3A_12 : memref<112x64xf32, #tpu.memory_space<hbm>>) target_semaphore(%run_scoped3A : memref<!tpu.dma_semaphore, #tpu.memory_space<semaphore_mem>>)
        %dma_wait3A_13 = arith.constant 0 : i32
        %dma_wait3A_14 = tpu.memref_slice %arg4[%mul3A_4, %dma_wait3A_13] : memref<3136x64xf32, #tpu.memory_space<hbm>> -> memref<112x64xf32, #tpu.memory_space<hbm>>
        %dma_wait3A_15 = arith.constant 0 : i32
        %dma_wait3A_16 = tpu.memref_slice %arg4[%mul3A_4, %dma_wait3A_15] : memref<3136x64xf32, #tpu.memory_space<hbm>> -> memref<112x64xf32, #tpu.memory_space<hbm>>
        tpu.wait_dma2 semaphore(%run_scoped3A : memref<!tpu.dma_semaphore, #tpu.memory_space<semaphore_mem>>) src(%arg6 : memref<112x64xf32, #tpu.memory_space<vmem>>) dst(%dma_wait3A_16 : memref<112x64xf32, #tpu.memory_space<hbm>>)
        tpu.yield
      }) : () -> ()
    } else {
    }
    return
  }
}

module attributes {stable_mosaic.version = 14 : i64} {
  func.func @_quant_body(%arg0: i32, %arg1: memref<1x64x784xf32, #tpu.memory_space<vmem>>, %arg2: memref<1024x64xf32, #tpu.memory_space<vmem>>, %arg3: memref<1x1x784xi32, #tpu.memory_space<vmem>>) attributes {dimension_semantics = [#tpu.dimension_semantics<arbitrary>], iteration_bounds = array<i64: 4>, scalar_prefetch = 0 : i64, scratch_operands = 0 : i64, tpu.core_type = #tpu.core_type<tc>, window_params = [{transform_indices = @transform_0, window_bounds = array<i64: 1, 64, 784>}, {pipeline_mode = #tpu.pipeline_mode<synchronous>, transform_indices = @transform_1, window_bounds = array<i64: 1024, 64>}, {transform_indices = @transform_2, window_bounds = array<i64: 1, 1, 784>}]} {
    %get3A = arith.constant 0 : index
    %get3A_0 = arith.constant 0 : index
    %get3A_1 = arith.constant 0 : index
    %get3A_2 = vector.load %arg1[%get3A, %get3A_0, %get3A_1] : memref<1x64x784xf32, #tpu.memory_space<vmem>>, vector<1x64x784xf32>
    %get3A_3 = vector.shape_cast %get3A_2 : vector<1x64x784xf32> to vector<64x784xf32>
    %get3A_4 = arith.constant 0 : index
    %get3A_5 = arith.constant 0 : index
    %get3A_6 = vector.load %arg2[%get3A_4, %get3A_5] : memref<1024x64xf32, #tpu.memory_space<vmem>>, vector<1024x64xf32>
    %dot_general3A = arith.constant dense<0.000000e+00> : vector<1024x784xf32>
    %dot_general3A_7 = tpu.matmul %get3A_6, %get3A_3, %dot_general3A {dimension_numbers = #tpu.dot_dimension_numbers<[1], [0], [0], [1], [0, 0, 1, 1], [], []>, transpose_lhs_hint = false} : vector<1024x64xf32>, vector<64x784xf32>, vector<1024x784xf32> -> vector<1024x784xf32>
    %mul3A = arith.mulf %get3A_3, %get3A_3 : vector<64x784xf32>
    %reduce_sum3A = arith.constant dense<0.000000e+00> : vector<784xf32>
    %reduce_sum3A_8 = vector.multi_reduction <add>, %mul3A, %reduce_sum3A [0] : vector<64x784xf32> to vector<784xf32>
    %broadcast_in_dim3A = vector.shape_cast %reduce_sum3A_8 : vector<784xf32> to vector<1x784xf32>
    %mul3A_9 = arith.mulf %get3A_6, %get3A_6 : vector<1024x64xf32>
    %reduce_sum3A_10 = arith.constant dense<0.000000e+00> : vector<1024xf32>
    %reduce_sum3A_11 = vector.multi_reduction <add>, %mul3A_9, %reduce_sum3A_10 [1] : vector<1024x64xf32> to vector<1024xf32>
    %broadcast_in_dim3A_12 = vector.shape_cast %reduce_sum3A_11 : vector<1024xf32> to vector<1024x1xf32>
    %mul3A_13 = arith.constant 2.000000e+00 : f32
    %mul3A_14 = vector.broadcast %mul3A_13 : f32 to vector<1024x784xf32>
    %mul3A_15 = arith.mulf %mul3A_14, %dot_general3A_7 : vector<1024x784xf32>
    %sub3A = vector.broadcast %broadcast_in_dim3A : vector<1x784xf32> to vector<1024x784xf32>
    %sub3A_16 = arith.subf %sub3A, %mul3A_15 : vector<1024x784xf32>
    %add3A = vector.broadcast %broadcast_in_dim3A_12 : vector<1024x1xf32> to vector<1024x784xf32>
    %add3A_17 = arith.addf %sub3A_16, %add3A : vector<1024x784xf32>
    %max3A = arith.constant 0.000000e+00 : f32
    %max3A_18 = vector.broadcast %max3A : f32 to vector<1024x784xf32>
    %max3A_19 = arith.maximumf %add3A_17, %max3A_18 : vector<1024x784xf32>
    %sqrt3A = math.sqrt %max3A_19 : vector<1024x784xf32>
    %reduce_min3A = arith.constant dense<0x7F800000> : vector<784xf32>
    %reduce_min3A_20 = vector.multi_reduction <minimumf>, %sqrt3A, %reduce_min3A [0] : vector<1024x784xf32> to vector<784xf32>
    %broadcast_in_dim3A_21 = vector.shape_cast %reduce_min3A_20 : vector<784xf32> to vector<1x784xf32>
    %iota3A = tpu.iota {dimensions = array<i32: 0>} : vector<1024x784xi32>
    %le3A = vector.broadcast %broadcast_in_dim3A_21 : vector<1x784xf32> to vector<1024x784xf32>
    %le3A_22 = arith.cmpf ole, %sqrt3A, %le3A : vector<1024x784xf32>
    %jit3A = arith.constant 1024 : i32
    %broadcast_in_dim3A_23 = vector.broadcast %jit3A : i32 to vector<1024x784xi32>
    %select_n3A = arith.select %le3A_22, %iota3A, %broadcast_in_dim3A_23 : vector<1024x784xi1>, vector<1024x784xi32>
    %reduce_min3A_24 = arith.constant dense<2147483647> : vector<784xi32>
    %reduce_min3A_25 = vector.multi_reduction <minsi>, %select_n3A, %reduce_min3A_24 [0] : vector<1024x784xi32> to vector<784xi32>
    %broadcast_in_dim3A_26 = vector.shape_cast %reduce_min3A_25 : vector<784xi32> to vector<1x784xi32>
    %swap3A = arith.constant 0 : index
    %swap3A_27 = arith.constant 0 : index
    %swap3A_28 = arith.constant 0 : index
    %swap3A_29 = vector.load %arg3[%swap3A, %swap3A_27, %swap3A_28] : memref<1x1x784xi32, #tpu.memory_space<vmem>>, vector<1x1x784xi32>
    %swap3A_30 = vector.shape_cast %swap3A_29 : vector<1x1x784xi32> to vector<1x784xi32>
    %swap3A_31 = vector.shape_cast %broadcast_in_dim3A_26 : vector<1x784xi32> to vector<1x1x784xi32>
    tpu.vector_store %arg3[%swap3A, %swap3A_27, %swap3A_28], %swap3A_31 {strides = array<i32>} : memref<1x1x784xi32, #tpu.memory_space<vmem>>, vector<1x1x784xi32>,
    return
  }
  func.func @transform_0(%arg0: i32) -> (i32, i32, i32) {
    %c0_i32 = arith.constant 0 : i32
    %c0_i32_0 = arith.constant 0 : i32
    %c0_i32_1 = arith.constant 0 : i32
    return %arg0, %c0_i32, %c0_i32_0 : i32, i32, i32
  }
  func.func @transform_1(%arg0: i32) -> (i32, i32) {
    %c0_i32 = arith.constant 0 : i32
    %c0_i32_0 = arith.constant 0 : i32
    %c0_i32_1 = arith.constant 0 : i32
    return %c0_i32, %c0_i32_0 : i32, i32
  }
  func.func @transform_2(%arg0: i32) -> (i32, i32, i32) {
    %c0_i32 = arith.constant 0 : i32
    %c0_i32_0 = arith.constant 0 : i32
    %c0_i32_1 = arith.constant 0 : i32
    return %arg0, %c0_i32, %c0_i32_0 : i32, i32, i32
  }
}

</mosaic_0001>

<sc_bundles>
// kernel: kernel.4.cloned.1.call-start
scs
__scs_entry_jumppad:
0x0: {  	(pc) =	sbr.rel $0x88, $3  }
0x1: {  	(tag) =	ssettag $0x0;
	lr =	simm.s32 $0x1  }
0x2: {  	[smem:$0x3F8F] =	sst lr;
	_ =	strace $0xD0000000  }
0x3: {  	_ = 	snop  }
0x4: {  	_ = 	snop  }
0x5: {  	_ = 	snop  }
0x6: {  	_ = 	snop  }
0x7: {  	_ = 	snop  }
__scs_overlays_trampoline_lowered:
0x8: {  	[smem:$0x3F9E] =	sst s0  }
0x9: {  	[smem:$0x3F9F] =	sst s1  }
0xa: {  	[smem:$0x3FA0] =	sst s2  }
0xb: {  	[smem:$0x3FA1] =	sst s3  }
0xc: {  	[smem:$0x3FA2] =	sst s4  }
0xd: {  	[smem:$0x3FA3] =	sst s5  }
0xe: {  	[smem:$0x3FA4] =	sst s6  }
0xf: {  	[smem:$0x3FA5] =	sst s7  }
0x10: {  	[smem:$0x3FA6] =	sst s8  }
0x11: {  	[smem:$0x3FA7] =	sst s9;
	s0 =	simm.s32 @!p0 $0x0  }
0x12: {  	s1 =	sld [smem:$0x3F8D];
	s0 =	simm.s32 @p0 $0x1  }
0x13: {  	[smem:$0x3FA8] =	sst s0;
	s0 =	simm.s32 @!p1 $0x0  }
0x14: {  	s2 =	sld [smem:$0x3F8C];
	s0 =	simm.s32 @p1 $0x1  }
0x15: {  	[smem:$0x3FA9] =	sst s0;
	s0 =	simm.s32 @!p2 $0x0  }
0x16: {  	s3 =	sld [smem:$0x3FDB];
	s0 =	simm.s32 @p2 $0x1  }
0x17: {  	s4 =	simm.s32 $0x1BF5;
	[smem:$0x3FAB] =	sst s0  }
0x18: {  	s0 =	sld [smem:$0x3F8E];
	_ =	swait.ge [sflag:s4], $0x0  }
0x19: {  	s7 =	sld [smem:$0x3F8F]  }
0x1a: {  	s8 =	sadd.s32 $0xFFFFE003, lr  }
0x1b: {  	s9 =	sadd.s32 $0xFFFFFEF7, lr;
	s5 =	simm.s32 $0xFFFFFFFF;
	p2 =	slt.u32 s8, $0xFFFFF086  }
0x1c: {  	p1 =	slt.u32 s9, $0xF7A;
	s5 =	simm.s32 @!p2 $0x0  }
0x1d: {  	s5 =	simm.s32 @p1 $0x1;
	p0 =	seq.s32 s7, s2  }
0x1e: {  	s7 =	smul.u32 @!p0 $0xF7A, s2;
	p2 =	seq.s32 @!p0 s5, $0x0  }
0x1f: {  	s9 =	smul.u32 $0xF7A, s1;
	s8 =	simm.s32 @!p0 $0x1BF5;
	p2 =	por !p2, p0  }
0x20: {  	[sflag:s8] =	ssyncset.s32 @!p0 $0xFFFFF086;
	s6 =	sadd.s32 @!p0 s3, s7;
	s7 =	simm.s32 @!p0 $0x108  }
0x21: {  	s3 =	sadd.s32 s3, s9;
	s6 =	sadd.s32 @!p0 $0x88, s6;
	s7 =	simm.s32 @p2 $0x1082  }
0x22: {  	[simem:s7], [sflag:s8] =	dma.local @!p0 [hbm:s6], $0xF7A  }
0x23: {  	s9 =	sor.u32 $0xD0000000, s2;
	s6 =	simm.s32 $0x108;
	_ =	swait.ge @!p0 [sflag:s8], $0x0  }
0x24: {  	s3 =	sadd.s32 $0x88, s3;
	s6 =	simm.s32 @!p1 $0x1082;
	[sflag:s4] =	ssyncset.s32 $0xFFFFF086  }
0x25: {  	[simem:s6], [sflag:s4] =	dma.local [hbm:s3], $0xF7A  }
0x26: {  	[smem:$0x3F8F] =	sst s1;
	(tag) =	ssettag s2;
	_ =	strace s9  }
0x27: {  	s1 =	sld [smem:$0x3F9F]  }
0x28: {  	s2 =	sld [smem:$0x3FA0]  }
0x29: {  	s4 =	sld [smem:$0x3FA2]  }
0x2a: {  	p0 =	seq.s32 s5, $0x0;
	s5 =	sld [smem:$0x3FA3]  }
0x2b: {  	s6 =	sld [smem:$0x3FA4]  }
0x2c: {  	s7 =	sld [smem:$0x3FA5]  }
0x2d: {  	s3 =	simm.s32 $0x108;
	s8 =	sld [smem:$0x3FA6]  }
0x2e: {  	s3 =	simm.s32 @!p0 $0x1082;
	s9 =	sld [smem:$0x3FA7]  }
0x2f: {  	lr =	sadd.s32 s0, s3;
	s0 =	sld [smem:$0x3F9E]  }
0x30: {  	s3 =	sld [smem:$0x3FA1]  }
0x31: {  	[smem:$0x3FAA] =	sst s10  }
0x32: {  	s10 =	sld [smem:$0x3FA8];
	_ =	sdelay $0x3  }
0x33: {  	p0 =	seq.s32 s10, $0x1;
	s10 =	sld [smem:$0x3FAA];
	_ =	sdelay $0x3  }
0x34: {  	[smem:$0x3FAA] =	sst s10  }
0x35: {  	s10 =	sld [smem:$0x3FA9];
	_ =	sdelay $0x3  }
0x36: {  	p1 =	seq.s32 s10, $0x1;
	s10 =	sld [smem:$0x3FAA];
	_ =	sdelay $0x3  }
0x37: {  	[smem:$0x3FAA] =	sst s10  }
0x38: {  	s10 =	sld [smem:$0x3FAB]  }
0x39: {  	_ = 	snop;
	(pc) =	sbr.ind lr, $3  }
0x3a: {  	_ = 	snop  }
0x3b: {  	_ = 	snop  }
0x3c: {  	p2 =	seq.s32 s10, $0x1;
	s10 =	sld [smem:$0x3FAA]  }
0x3d: {  	_ =	shalt  }
0x3e: {  	_ =	shalt  }
0x3f: {  	_ =	shalt  }
0x40: {  	_ =	shalt  }
0x41: {  	_ =	shalt  }
0x42: {  	_ =	shalt  }
0x43: {  	_ =	shalt  }
0x44: {  	_ =	shalt  }
0x45: {  	_ =	shalt  }
0x46: {  	_ =	shalt  }
0x47: {  	_ =	shalt  }
0x48: {  	_ =	shalt  }
0x49: {  	_ =	shalt  }
0x4a: {  	_ =	shalt  }
0x4b: {  	_ =	shalt  }
0x4c: {  	_ =	shalt  }
0x4d: {  	_ =	shalt  }
0x4e: {  	_ =	shalt  }
0x4f: {  	_ =	shalt  }
0x50: {  	_ =	shalt  }
0x51: {  	_ =	shalt  }
0x52: {  	_ =	shalt  }
0x53: {  	_ =	shalt  }
0x54: {  	_ =	shalt  }
0x55: {  	_ =	shalt  }
0x56: {  	_ =	shalt  }
0x57: {  	_ =	shalt  }
0x58: {  	_ =	shalt  }
0x59: {  	_ =	shalt  }
0x5a: {  	_ =	shalt  }
0x5b: {  	_ =	shalt  }
0x5c: {  	_ =	shalt  }
0x5d: {  	_ =	shalt  }
0x5e: {  	_ =	shalt  }
0x5f: {  	_ =	shalt  }
0x60: {  	_ =	shalt  }
0x61: {  	_ =	shalt  }
0x62: {  	_ =	shalt  }
0x63: {  	_ =	shalt  }
0x64: {  	_ =	shalt  }
0x65: {  	_ =	shalt  }
0x66: {  	_ =	shalt  }
0x67: {  	_ =	shalt  }
0x68: {  	_ =	shalt  }
0x69: {  	_ =	shalt  }
0x6a: {  	_ =	shalt  }
0x6b: {  	_ =	shalt  }
0x6c: {  	_ =	shalt  }
0x6d: {  	_ =	shalt  }
0x6e: {  	_ =	shalt  }
0x6f: {  	_ =	shalt  }
0x70: {  	_ =	shalt  }
0x71: {  	_ =	shalt  }
0x72: {  	_ =	shalt  }
0x73: {  	_ =	shalt  }
0x74: {  	_ =	shalt  }
0x75: {  	_ =	shalt  }
0x76: {  	_ =	shalt  }
0x77: {  	_ =	shalt  }
0x78: {  	_ =	shalt  }
0x79: {  	_ =	shalt  }
0x7a: {  	_ =	shalt  }
0x7b: {  	_ =	shalt  }
0x7c: {  	_ =	shalt  }
0x7d: {  	_ =	shalt  }
0x7e: {  	_ =	shalt  }
0x7f: {  	_ =	shalt  }
0x80: {  	_ =	shalt  }
0x81: {  	_ =	shalt  }
0x82: {  	_ =	shalt  }
0x83: {  	_ =	shalt  }
0x84: {  	_ =	shalt  }
0x85: {  	_ =	shalt  }
0x86: {  	_ =	shalt  }
0x87: {  	_ =	shalt  }
.Lfunc_end0:
.L_simem_size_0:
called_computation_lowered:
.L_overlay_start_0:
0x88: {  	s2 =	sld [smem:$0x3FD9]  }
0x89: {  	s3 =	sld [smem:$0x3FFE];
	_ =	sdelay $0x1  }
0x8a: {  	s1 =	srdreg.scid  }
0x8b: {  	s0 =	sand.u32 $0x1, s1  }
0x8c: {  	s14 =	sshll.u32 s0, $0xA;
	s2 =	sadd.s32 s3, s2  }
0x8d: {  	s2 =	sadd.s32 s2, s14  }
0x8e: {  	[smem:$0x3FB6] =	sst s2  }
0x8f: {  	_ = 	snop  }
0x90: {  	s2 =	sld [smem:$0x3FD0];
	_ =	sdelay $0x2  }
0x91: {  	s15 =	simm.s32 $0xA;
	s4 =	simm.s32 $0x10  }
0x92: {  	[smem:s4], [sflag:s15] =	dma.local [hbm:s2], $0x1  }
0x93: {  	_ =	swait.eq [sflag:s15], $0x1  }
0x94: {  	[sflag:s15] =	ssyncset.done $0x0  }
0x95: {  	s16 =	sld [smem:$0x10];
	[sflag:s15] =	ssyncadd.s32 $0xFFFFFFFF  }
0x96: {  	s17 =	sld [smem:$0x12];
	(tm) =	ssettm $0x1  }
0x97: {  	s18 =	sld [smem:$0x3FFB];
	_ =	sdelay $0x3  }
0x98: {  	_ =	strace s18  }
0x99: {  	s4 =	sld [smem:$0x3FFC];
	_ =	sdelay $0x3  }
0x9a: {  	_ =	strace s4  }
0x9b: {  	s4 =	sld [smem:$0x3FFD];
	_ =	sdelay $0x3  }
0x9c: {  	_ =	strace s4  }
0x9d: {  	_ =	strace $0x8FFFFFFF  }
0x9e: {  	s19 =	sld [smem:$0x3FDB];
	_ =	sdelay $0x1  }
0x9f: {  	s5 =	simm.s32 $_scs_section_size  }
0xa0: {  	s6 =	simm.s32 $_size__tile_overlayer_lowered;
	s7 =	simm.s32 $_tile_overlayer_lowered  }
0xa1: {  	s22 =	simm.s32 $0x1BFF;
	s21 =	sshll.u32 s7, $0x1;
	s4 =	sadd.s32 s5, s19  }
0xa2: {  	s8 =	simm.s32 $0x0;
	s20 =	sshll.u32 s6, $0x1;
	s6 =	sadd.s32 s21, s4  }
0xa3: {  	[timem:s8], [sflag:s22] =	dma.local [hbm:s6], s20  }
0xa4: {  	_ =	swait.ge [sflag:s22], s20  }
0xa5: {  	s5 =	ssub.s32 $0x0, s20;
	[sflag:s22] =	ssyncset.done $0x0  }
0xa6: {  	[sflag:s22] =	ssyncadd.s32 s5;
	_ =	sdelay $0x1  }
0xa7: {  	s23 =	simm.s32 $0x1B8B  }
0xa8: {  	_ =	swait.ge [sflag:s23], $0x1  }
0xa9: {  	[sflag:s23] =	ssyncset.done $0x0  }
0xaa: {  	s25 =	simm.s32 $0x1B8E;
	s24 =	sld [smem:$0x3FFE];
	[sflag:s23] =	ssyncadd.s32 $0xFFFFFFFF  }
0xab: {  	s26 =	simm.s32 $execute0_lowered;
	[smem:$0x3FD2] =	sst s25  }
0xac: {  	s6 =	sshll.u32 s26, $0x1;
	_ =	strace $0x80000046;
	[dreg:$0x1] =	wrdreg $0xFFFFFFFF  }
0xad: {  	s28 =	simm.s32 $_size_execute0_lowered;
	s4 =	sadd.s32 s4, s6;
	[dreg:$0x0] =	wrdreg $0x0  }
0xae: {  	s6 =	sshll.u32 s28, $0x1;
	[dreg:$0x2] =	wrdreg s4  }
0xaf: {  	[dreg:$0x3] =	wrdreg s6  }
0xb0: {  	[dreg:$0x4] =	wrdreg $0xC0  }
0xb1: {  	_ =	task [dreg:s8], $0x5FFFF  }
0xb2: {  	[dreg:$0x1] =	wrdreg $0xFFFFFFFF  }
0xb3: {  	[dreg:$0x0] =	wrdreg $0x60  }
0xb4: {  	[dreg:$0x2] =	wrdreg s16  }
0xb5: {  	[dreg:$0x3] =	wrdreg s24  }
0xb6: {  	[dreg:$0x4] =	wrdreg s17  }
0xb7: {  	[dreg:$0x5] =	wrdreg $0x9  }
0xb8: {  	_ =	task.clear_ibuf [dreg:s8], $0x6FFFF;
	_ =	strace $0x90000046  }
0xb9: {  	s29 =	simm.s32 $0x9;
	_ =	strace $0x80000048  }
0xba: {  	_ =	swait.ge [sflag:s29], $0x1  }
0xbb: {  	[sflag:s29] =	ssyncadd.s32 $0xFFFFFFFF  }
0xbc: {  	_ =	strace $0x90000048  }
0xbd: {  	_ =	sfence  }
0xbe: {  	s30 =	sld [smem:$0x0];
	_ =	sdelay $0x2  }
0xbf: {  	s31 =	sshll.u32 s1, $0xD;
	s1 =	sshrl.u32 s1, $0x2  }
0xc0: {  	s3 =	sand.u32 $0x4000, s31;
	s1 =	sadd.s32 s1, s30  }
0xc1: {  	s0 =	sor.u32 s3, s0;
	s1 =	sshll.u32 s1, $0x11  }
0xc2: {  	s0 =	sor.u32 s1, s0  }
0xc3: {  	s0 =	sadd.s32 $0x8F2B, s0  }
0xc4: {  	[sflag:s0] =	ssyncadd.remote.s32 $0x1  }
0xc5: {  	_ =	sfence.sel $0xFFFF  }
0xc6: {  	[dreg:$0x0] =	wrdreg $0xFFFFFFFF;
	(pc) =	sbr.abs _section_cstart, $3  }
0xc7: {  	[dreg:$0x1] =	wrdreg $0xFFFFFFFF  }
0xc8: {  	_ =	task.clear_ibuf [dreg:s8], $0x2FFFF;
	_ =	strace $0x9FFFFFFF  }
0xc9: {  	(tm) =	ssettm $0x7FFFFFFF  }
tec
execute0_lowered:
.L_overlay_start_1:
0x0: {  	(tag) =	ssettag $0x1  }
0x1: {  	s1 =	stileid.u32  }
0x2: {  	p0 =	sgt.u32 s1, $0xD  }
.Ltmp0:
0x3: {  	s2 =	rddreg [dreg:$0x0];
	(pc) =	sbr.rel @p0 .LBB2_4-.Ltmp0, $4  }
0x4: {  	s4 =	rddreg [dreg:$0x1]  }
0x5: {  	s8 =	rddreg [dreg:$0x2];
	s3 =	simm.s32 $0x0  }
0x6: {  	[smem:$0x7FF] =	sst s3  }
0x7: {  	s0 =	rddreg [dreg:$0x3];
	_ =	strace $0x80000047  }
0x8: {  	s5 =	srdreg.scid  }
0x9: {  	s30 =	sshll.u32 s1, $0x1;
	s6 =	sand.u32 $0x1, s5  }
0xa: {  	s9 =	sor.u32 s6, s30  }
0xb: {  	s5 =	smul.u32 $0xE, s9  }
0xc: {  	s4 =	sadd.s32 $0x3000, s4  }
0xd: {  	s10 =	ssub.s32 $0x2, s6;
	s5 =	sadd.s32 s4, s5;
	s4 =	simm.s32 $0x2  }
0xe: {  	[tilespmem:s3], [sflag:$0x2] =	stream.linear.gather [hbm4b:s5+s3], $0x70, $0x38;
	[tilespmem:$0x1C70] =	vst v63  }
0xf: {  	s11 =	sshrl.u32 s10, $0x1;
	_ =	swait.ge [sflag:s4], $0x70  }
0x10: {  	s7 =	simm.s32 $0x1;
	s10 =	ssub.s32 s10, s11;
	[sflag:s4] =	ssyncset.done $0x0  }
0x11: {  	s6 =	simm.s32 $0x70;
	s31 =	smax.u32 s10, $0x1;
	[sflag:s4] =	ssyncadd.s32 $0xFFFFFF90  }
0x12: {  	[tilespmem:s6], [sflag:$0x1] =	stream.indirect.gather [hbm4b:s2+s6], $0x40, s3, s6, $0xb8;
	[tilespmem:$0x1C70] =	vst v63  }
0x13: {  	s9 =	smul.u32 $0x380, s9;
	p0 =	sne.s32 s31, $0x1;
	_ =	swait.ge [sflag:s7], $0x1C00  }
.Ltmp1:
0x14: {  	[sflag:s7] =	ssyncset.done $0x0;
	(pc) =	sbr.rel @!p0 .LBB2_3-.Ltmp1, $4  }
0x15: {  	s8 =	sadd.s32 s8, s9;
	[sflag:s7] =	ssyncadd.s32 $0xFFFFE400  }
0x16: {  	[hbm4b:s8+s3] =	stream.linear.scatter [tilespmem:s6], [sflag:$0x2], $0x1C00, $0x38;
	[tilespmem:$0x1C70] =	vst v63  }
0x17: {  	_ =	swait.ge [sflag:s4], $0x1C00  }
0x18: {  	s9 =	sadd.s32 $0xFFFFFFFF, s31;
	[sflag:s4] =	ssyncset.done $0x0  }
.LBB2_2:
0x19: {  	p0 =	sne.s32 s9, $0x1;
	s9 =	sadd.s32 $0xFFFFFFFF, s9;
	[sflag:s4] =	ssyncadd.s32 $0xFFFFE400  }
0x1a: {  	[tilespmem:s3], [sflag:$0x2] =	stream.linear.gather [hbm4b:s5+s3], $0x70, $0x38;
	[tilespmem:$0x1C70] =	vst v63  }
0x1b: {  	_ =	swait.ge [sflag:s4], $0x70  }
0x1c: {  	[sflag:s4] =	ssyncset.done $0x0  }
0x1d: {  	[sflag:s4] =	ssyncadd.s32 $0xFFFFFF90  }
0x1e: {  	[tilespmem:s6], [sflag:$0x1] =	stream.indirect.gather [hbm4b:s2+s6], $0x40, s3, s6, $0xb8;
	[tilespmem:$0x1C70] =	vst v63  }
0x1f: {  	_ =	swait.ge [sflag:s7], $0x1C00  }
.Ltmp2:
0x20: {  	[sflag:s7] =	ssyncset.done $0x0;
	(pc) =	sbr.rel @p0 .LBB2_2-.Ltmp2, $4  }
0x21: {  	[sflag:s7] =	ssyncadd.s32 $0xFFFFE400  }
0x22: {  	[hbm4b:s8+s3] =	stream.linear.scatter [tilespmem:s6], [sflag:$0x2], $0x1C00, $0x38;
	[tilespmem:$0x1C70] =	vst v63  }
0x23: {  	_ =	swait.ge [sflag:s4], $0x1C00  }
0x24: {  	[sflag:s4] =	ssyncset.done $0x0  }
.LBB2_3:
0x25: {  	[sflag:s4] =	ssyncadd.s32 $0xFFFFE400  }
.LBB2_4:
0x26: {  	_ =	sfence.sel $0x180000  }
0x27: {  	[bflag:$0x0] =	sbarrier.arrive $0xFFFF  }
0x28: {  	p0 =	sne.s32 s1, $0x0;
	_ =	strace $0x90000047  }
0x29: {  	s0 =	sadd.s32 @!p0 $0x100000, s0;
	[bflag:$0x2] =	sbarrier.arrive $0xFFFF  }
0x2a: {  	[sflag:s0] =	ssyncadd.tile.s32 @!p0 $0x1;
	_ =	shalt  }
.Lfunc_end2:
_tile_overlayer_lowered:
.L_overlay_start_2:
0x2b: {  	(tag) =	ssettag $0x2  }
0x2c: {  	s0 =	rddreg [dreg:$0x0];
	s2 =	stileid.u32  }
0x2d: {  	s1 =	rddreg [dreg:$0x1];
	p0 =	sne.s32 s2, $0x0  }
0x2e: {  	s3 =	rddreg [dreg:$0x2];
	[bflag:$0x3] =	sbarrier.arrive $0xFFFF;
	s2 =	simm.s32 @!p0 $0x1C02  }
0x2f: {  	[timem:s3], [sflag:s2] =	dma.local @!p0 [hbm:s0], s1  }
0x30: {  	s0 =	simm.s32 @!p0 $0x2  }
0x31: {  	_ =	swait.ge @!p0 [sflag:s0], s1  }
0x32: {  	s1 =	ssub.s32 @!p0 $0x0, s1;
	[sflag:s0] =	ssyncset.done @!p0 $0x0  }
0x33: {  	[sflag:s0] =	ssyncadd.s32 @!p0 s1  }
0x34: {  	[bflag:$0x3] =	sbarrier.arrive $0xFFFF  }
0x35: {  	_ =	shalt  }

</sc_bundles>
